<compile_context>
chip_gen: v7x
topology: tpu7x:2x2x1
jax: 0.10.2.dev20260603
libtpu: 0.0.44.dev20260713+nightly
codegen_flags: <defaults>
</compile_context>

<pallas_src>
import functools

import jax
import jax.numpy as jnp
from jax import lax
from jax.experimental import pallas as pl
from jax.experimental.pallas import tpu as pltpu
from jax.experimental.pallas import tpu_sc as plsc

N_FIELDS = 26
BATCH = 16384
NUM_CORES = 2
NUM_SUBCORES = 16
NW = NUM_CORES * NUM_SUBCORES
BPW = BATCH // NW
LANES = 16
NCHUNK = 4
CHUNK = BPW // NCHUNK


@functools.partial(
    pl.kernel,
    mesh=plsc.VectorSubcoreMesh(core_axis_name="c", subcore_axis_name="s"),
    out_type=jax.ShapeDtypeStruct((BATCH,), jnp.float32),
    scratch_types=[
        pltpu.VMEM((BPW,), jnp.int32),
        pltpu.VMEM((BPW,), jnp.float32),
        pltpu.SemaphoreType.DMA((NCHUNK,)),
        pltpu.SemaphoreType.DMA((NCHUNK,)),
        pltpu.SemaphoreType.DMA,
    ],
)
def _sc_gather(flat_hbm, idx_hbm, out_hbm, idx_v, rows_v, isem, gsem,
               osem):
    wid = lax.axis_index("s") * NUM_CORES + lax.axis_index("c")
    base = wid * BPW

    def fire_idx(j, c):
        cbase = j * CHUNK
        pltpu.async_copy(idx_hbm.at[pl.ds(base + cbase, CHUNK)],
                         idx_v.at[pl.ds(cbase, CHUNK)], isem.at[j])
        return c

    lax.fori_loop(0, NCHUNK, fire_idx, 0)

    def gather_chunk(j, c):
        cbase = j * CHUNK
        pltpu.make_async_copy(idx_hbm.at[pl.ds(base + cbase, CHUNK)],
                              idx_v.at[pl.ds(cbase, CHUNK)], isem.at[j]).wait()

        def body(i, pos):
            off = cbase + i * LANES
            fld = idx_v[pl.ds(off, LANES)]
            idx_v[pl.ds(off, LANES)] = fld * BATCH + pos
            return pos + LANES

        lax.fori_loop(0, CHUNK // LANES, body,
                      base + cbase + lax.iota(jnp.int32, 16))
        pltpu.async_copy(flat_hbm.at[idx_v.at[pl.ds(cbase, CHUNK)]],
                         rows_v.at[pl.ds(cbase, CHUNK)], gsem.at[j])
        return c

    lax.fori_loop(0, NCHUNK, gather_chunk, 0)

    def write_chunk(j, c):
        cbase = j * CHUNK
        pltpu.make_async_copy(flat_hbm.at[idx_v.at[pl.ds(cbase, CHUNK)]],
                              rows_v.at[pl.ds(cbase, CHUNK)],
                              gsem.at[j]).wait()
        pltpu.async_copy(rows_v.at[pl.ds(cbase, CHUNK)],
                         out_hbm.at[pl.ds(base + cbase, CHUNK)], osem)
        return c

    lax.fori_loop(0, NCHUNK, write_chunk, 0)

    pltpu.make_async_copy(out_hbm.at[pl.ds(base, BPW)], rows_v, osem).wait()


def kernel(outputs, group_indices):
    flat = outputs.reshape(N_FIELDS * BATCH)
    idx = group_indices.astype(jnp.int32).reshape(BATCH)
    out = _sc_gather(flat, idx)
    return out.reshape(BATCH, 1)

# --- scband reference (transcript-rebuilt; emitter-appended) ---
"""Pipeline reference for scband-custom-gather-layer-87265145520881 (READ-ONLY COPY).

The authoritative reference and input builder live on the scoring server;
editing this copy changes nothing except your own understanding.
"""

import jax, jax.numpy as jnp
import numpy as np

N_FIELDS = 26
BATCH = 16384

def setup_inputs(seed: int = 0) -> dict:
    key = jax.random.key(seed)
    k1, k2 = jax.random.split(key)
    # 'outputs' models the Python list of N_FIELDS tensors each of shape (BATCH, 1),
    # stored as a single stacked array of shape (N_FIELDS, BATCH, 1).
    outputs = jax.random.normal(k1, (N_FIELDS, BATCH, 1), dtype=jnp.float32)
    group_indices = jax.random.randint(k2, (BATCH, 1), 0, N_FIELDS, dtype=jnp.int64)
    return {"outputs": outputs, "group_indices": group_indices}

def reference(outputs, group_indices):
    # tf.stack(list_of_(B,1), axis=1) -> (B, n, 1); emulate by transposing (n,B,1)->(B,n,1)
    stacked = jnp.transpose(outputs, (1, 0, 2))      # (B, n, 1)
    stacked = jnp.squeeze(stacked, axis=-1)           # (B, n)
    # tf.gather(stacked, indices(B,1), batch_dims=1) -> (B, 1)
    gathered = jnp.take_along_axis(stacked, group_indices.astype(jnp.int32), axis=1)
    return gathered

if __name__ == "__main__":
    import jax
    _d = setup_inputs()
    print(jax.jit(kernel)(*tuple(_d.values())))

</pallas_src>

<mosaic_0001>
#map = affine_map<(d0, d1) -> (0)>
module attributes {stable_mosaic.version = 14 : i64} {
  func.func @_sc_gather(%arg0: i32, %arg1: i32, %arg2: memref<425984xf32, #tpu.memory_space<hbm>>, %arg3: memref<16384xi32, #tpu.memory_space<hbm>>, %arg4: memref<16384xf32, #tpu.memory_space<hbm>>, %arg5: memref<512xi32, #tpu.memory_space<vmem>>, %arg6: memref<512xf32, #tpu.memory_space<vmem>>, %arg7: memref<4x!tpu.dma_semaphore, #tpu.memory_space<semaphore_mem>>, %arg8: memref<4x!tpu.dma_semaphore, #tpu.memory_space<semaphore_mem>>, %arg9: memref<!tpu.dma_semaphore, #tpu.memory_space<semaphore_mem>>) attributes {dimension_semantics = [#tpu.dimension_semantics<core_parallel>, #tpu.dimension_semantics<subcore_parallel>], iteration_bounds = array<i64: 2, 16>, scalar_prefetch = 0 : i64, scratch_operands = 5 : i64, tpu.core_type = #tpu.core_type<sc_vector_subcore>, window_params = [{transform_indices = #map}, {transform_indices = #map}, {transform_indices = #map}]} {
    %mul3A = arith.constant 2 : i32
    %mul3A_0 = arith.muli %arg1, %mul3A : i32
    %add3A = arith.addi %mul3A_0, %arg0 : i32
    %mul3A_1 = arith.constant 512 : i32
    %mul3A_2 = arith.muli %add3A, %mul3A_1 : i32
    %scan3A = arith.constant 0 : i32
    %scan3A_3 = arith.constant 0 : i32
    %scan3A_4 = arith.constant 4 : i32
    %scan3A_5 = arith.addi %scan3A_3, %scan3A_4 : i32
    %scan3A_6 = arith.constant 1 : i32
    scf.for %scan3A_21 = %scan3A_3 to %scan3A_5 step %scan3A_6  : i32 {
      %mul3A_22 = arith.constant 128 : i32
      %mul3A_23 = arith.muli %scan3A_21, %mul3A_22 : i32
      %add3A_24 = arith.addi %mul3A_2, %mul3A_23 : i32
      %dma_start3A = tpu.memref_slice %arg5[%mul3A_23] : memref<512xi32, #tpu.memory_space<vmem>> -> memref<128xi32, #tpu.memory_space<vmem>>
      %dma_start3A_25 = tpu.memref_slice %arg3[%add3A_24] : memref<16384xi32, #tpu.memory_space<hbm>> -> memref<128xi32, #tpu.memory_space<hbm>>
      %dma_start3A_26 = tpu.memref_slice %arg7[%scan3A_21] : memref<4x!tpu.dma_semaphore, #tpu.memory_space<semaphore_mem>> -> memref<1x!tpu.dma_semaphore, #tpu.memory_space<semaphore_mem>>
      %dma_start3A_27 = tpu.memref_squeeze %dma_start3A_26 : memref<1x!tpu.dma_semaphore, #tpu.memory_space<semaphore_mem>> -> memref<!tpu.dma_semaphore, #tpu.memory_space<semaphore_mem>>
      %dma_start3A_28 = tpu.memref_slice %arg5[%mul3A_23] : memref<512xi32, #tpu.memory_space<vmem>> -> memref<128xi32, #tpu.memory_space<vmem>>
      %dma_start3A_29 = tpu.memref_slice %arg3[%add3A_24] : memref<16384xi32, #tpu.memory_space<hbm>> -> memref<128xi32, #tpu.memory_space<hbm>>
      tpu.enqueue_dma source(%dma_start3A_29 : memref<128xi32, #tpu.memory_space<hbm>>) target(%dma_start3A_28 : memref<128xi32, #tpu.memory_space<vmem>>) target_semaphore(%dma_start3A_27 : memref<!tpu.dma_semaphore, #tpu.memory_space<semaphore_mem>>)
    }
    %scan3A_7 = arith.constant 4 : i32
    %scan3A_8 = arith.constant 0 : i32
    %scan3A_9 = arith.constant 0 : i32
    %scan3A_10 = arith.constant 4 : i32
    %scan3A_11 = arith.addi %scan3A_9, %scan3A_10 : i32
    %scan3A_12 = arith.constant 1 : i32
    scf.for %scan3A_21 = %scan3A_9 to %scan3A_11 step %scan3A_12  : i32 {
      %mul3A_22 = arith.constant 128 : i32
      %mul3A_23 = arith.muli %scan3A_21, %mul3A_22 : i32
      %add3A_24 = arith.addi %mul3A_2, %mul3A_23 : i32
      %dma_wait3A_25 = tpu.memref_slice %arg5[%mul3A_23] : memref<512xi32, #tpu.memory_space<vmem>> -> memref<128xi32, #tpu.memory_space<vmem>>
      %dma_wait3A_26 = tpu.memref_slice %arg3[%add3A_24] : memref<16384xi32, #tpu.memory_space<hbm>> -> memref<128xi32, #tpu.memory_space<hbm>>
      %dma_wait3A_27 = tpu.memref_slice %arg7[%scan3A_21] : memref<4x!tpu.dma_semaphore, #tpu.memory_space<semaphore_mem>> -> memref<1x!tpu.dma_semaphore, #tpu.memory_space<semaphore_mem>>
      %dma_wait3A_28 = tpu.memref_squeeze %dma_wait3A_27 : memref<1x!tpu.dma_semaphore, #tpu.memory_space<semaphore_mem>> -> memref<!tpu.dma_semaphore, #tpu.memory_space<semaphore_mem>>
      %dma_wait3A_29 = tpu.memref_slice %arg5[%mul3A_23] : memref<512xi32, #tpu.memory_space<vmem>> -> memref<128xi32, #tpu.memory_space<vmem>>
      %dma_wait3A_30 = tpu.memref_slice %arg3[%add3A_24] : memref<16384xi32, #tpu.memory_space<hbm>> -> memref<128xi32, #tpu.memory_space<hbm>>
      tpu.wait_dma2 semaphore(%dma_wait3A_28 : memref<!tpu.dma_semaphore, #tpu.memory_space<semaphore_mem>>) src(%dma_wait3A_30 : memref<128xi32, #tpu.memory_space<hbm>>) dst(%dma_wait3A_29 : memref<128xi32, #tpu.memory_space<vmem>>)
      %add3A_31 = arith.addi %mul3A_2, %mul3A_23 : i32
      %iota3A = tpu.iota {dimensions = array<i32: 0>} : vector<16xi32>
      %add3A_32 = vector.broadcast %add3A_31 : i32 to vector<16xi32>
      %add3A_33 = arith.addi %add3A_32, %iota3A : vector<16xi32>
      %scan3A_34 = arith.constant 0 : i32
      %scan3A_35 = arith.constant 8 : i32
      %scan3A_36 = arith.addi %scan3A_34, %scan3A_35 : i32
      %scan3A_37 = arith.constant 1 : i32
      %scan3A_38 = scf.for %scan3A_45 = %scan3A_34 to %scan3A_36 step %scan3A_37 iter_args(%scan3A_46 = %add3A_33) -> (vector<16xi32>)  : i32 {
        %mul3A_47 = arith.constant 16 : i32
        %mul3A_48 = arith.muli %scan3A_45, %mul3A_47 : i32
        %add3A_49 = arith.addi %mul3A_23, %mul3A_48 : i32
        %get3A = arith.index_cast %add3A_49 : i32 to index
        %get3A_50 = tpu.vector_load %arg5[%get3A] {strides = array<i32>} : memref<512xi32, #tpu.memory_space<vmem>>, vector<16xi32>,
        %get3A_51 = vector.shape_cast %get3A_50 : vector<16xi32> to vector<16xi32>
        %mul3A_52 = arith.constant 16384 : i32
        %mul3A_53 = vector.broadcast %mul3A_52 : i32 to vector<16xi32>
        %mul3A_54 = arith.muli %get3A_51, %mul3A_53 : vector<16xi32>
        %add3A_55 = arith.addi %mul3A_54, %scan3A_46 : vector<16xi32>
        %swap3A = arith.index_cast %add3A_49 : i32 to index
        %swap3A_56 = tpu.vector_load %arg5[%swap3A] {strides = array<i32>} : memref<512xi32, #tpu.memory_space<vmem>>, vector<16xi32>,
        %swap3A_57 = vector.shape_cast %swap3A_56 : vector<16xi32> to vector<16xi32>
        %swap3A_58 = vector.shape_cast %add3A_55 : vector<16xi32> to vector<16xi32>
        tpu.vector_store %arg5[%swap3A], %swap3A_58 {strides = array<i32>} : memref<512xi32, #tpu.memory_space<vmem>>, vector<16xi32>,
        %add3A_59 = arith.constant 16 : i32
        %add3A_60 = vector.broadcast %add3A_59 : i32 to vector<16xi32>
        %add3A_61 = arith.addi %scan3A_46, %add3A_60 : vector<16xi32>
        scf.yield %add3A_61 : vector<16xi32>
      }
      %scan3A_39 = arith.constant 8 : i32
      %dma_start3A = tpu.memref_slice %arg6[%mul3A_23] : memref<512xf32, #tpu.memory_space<vmem>> -> memref<128xf32, #tpu.memory_space<vmem>>
      %dma_start3A_40 = tpu.memref_slice %arg5[%mul3A_23] : memref<512xi32, #tpu.memory_space<vmem>> -> memref<128xi32, #tpu.memory_space<vmem>>
      %dma_start3A_41 = arith.constant 0 : i32
      %dma_start3A_42 = tpu.memref_slice %arg2[%dma_start3A_41] : memref<425984xf32, #tpu.memory_space<hbm>> -> memref<425984xf32, #tpu.memory_space<hbm>>
      %dma_start3A_43 = tpu.memref_slice %arg8[%scan3A_21] : memref<4x!tpu.dma_semaphore, #tpu.memory_space<semaphore_mem>> -> memref<1x!tpu.dma_semaphore, #tpu.memory_space<semaphore_mem>>
      %dma_start3A_44 = tpu.memref_squeeze %dma_start3A_43 : memref<1x!tpu.dma_semaphore, #tpu.memory_space<semaphore_mem>> -> memref<!tpu.dma_semaphore, #tpu.memory_space<semaphore_mem>>
      tpu.enqueue_indirect_dma source(%dma_start3A_42 : memref<425984xf32, #tpu.memory_space<hbm>>) target(%dma_start3A : memref<128xf32, #tpu.memory_space<vmem>>) offsets(%dma_start3A_40 : memref<128xi32, #tpu.memory_space<vmem>>) semaphore(%dma_start3A_44 : memref<!tpu.dma_semaphore, #tpu.memory_space<semaphore_mem>>)
    }
    %scan3A_13 = arith.constant 4 : i32
    %scan3A_14 = arith.constant 0 : i32
    %scan3A_15 = arith.constant 0 : i32
    %scan3A_16 = arith.constant 4 : i32
    %scan3A_17 = arith.addi %scan3A_15, %scan3A_16 : i32
    %scan3A_18 = arith.constant 1 : i32
    scf.for %scan3A_21 = %scan3A_15 to %scan3A_17 step %scan3A_18  : i32 {
      %mul3A_22 = arith.constant 128 : i32
      %mul3A_23 = arith.muli %scan3A_21, %mul3A_22 : i32
      %dma_wait3A_24 = tpu.memref_slice %arg6[%mul3A_23] : memref<512xf32, #tpu.memory_space<vmem>> -> memref<128xf32, #tpu.memory_space<vmem>>
      %dma_wait3A_25 = tpu.memref_slice %arg5[%mul3A_23] : memref<512xi32, #tpu.memory_space<vmem>> -> memref<128xi32, #tpu.memory_space<vmem>>
      %dma_wait3A_26 = arith.constant 0 : i32
      %dma_wait3A_27 = tpu.memref_slice %arg2[%dma_wait3A_26] : memref<425984xf32, #tpu.memory_space<hbm>> -> memref<425984xf32, #tpu.memory_space<hbm>>
      %dma_wait3A_28 = tpu.memref_slice %arg8[%scan3A_21] : memref<4x!tpu.dma_semaphore, #tpu.memory_space<semaphore_mem>> -> memref<1x!tpu.dma_semaphore, #tpu.memory_space<semaphore_mem>>
      %dma_wait3A_29 = tpu.memref_squeeze %dma_wait3A_28 : memref<1x!tpu.dma_semaphore, #tpu.memory_space<semaphore_mem>> -> memref<!tpu.dma_semaphore, #tpu.memory_space<semaphore_mem>>
      tpu.wait_indirect_dma semaphore(%dma_wait3A_29 : memref<!tpu.dma_semaphore, #tpu.memory_space<semaphore_mem>>) src(%dma_wait3A_27 : memref<425984xf32, #tpu.memory_space<hbm>>) dst(%dma_wait3A_24 : memref<128xf32, #tpu.memory_space<vmem>>)
      %add3A_30 = arith.addi %mul3A_2, %mul3A_23 : i32
      %dma_start3A = tpu.memref_slice %arg6[%mul3A_23] : memref<512xf32, #tpu.memory_space<vmem>> -> memref<128xf32, #tpu.memory_space<vmem>>
      %dma_start3A_31 = tpu.memref_slice %arg4[%add3A_30] : memref<16384xf32, #tpu.memory_space<hbm>> -> memref<128xf32, #tpu.memory_space<hbm>>
      %dma_start3A_32 = tpu.memref_slice %arg4[%add3A_30] : memref<16384xf32, #tpu.memory_space<hbm>> -> memref<128xf32, #tpu.memory_space<hbm>>
      %dma_start3A_33 = tpu.memref_slice %arg6[%mul3A_23] : memref<512xf32, #tpu.memory_space<vmem>> -> memref<128xf32, #tpu.memory_space<vmem>>
      tpu.enqueue_dma source(%dma_start3A_33 : memref<128xf32, #tpu.memory_space<vmem>>) target(%dma_start3A_32 : memref<128xf32, #tpu.memory_space<hbm>>) target_semaphore(%arg9 : memref<!tpu.dma_semaphore, #tpu.memory_space<semaphore_mem>>)
    }
    %scan3A_19 = arith.constant 4 : i32
    %dma_wait3A = tpu.memref_slice %arg4[%mul3A_2] : memref<16384xf32, #tpu.memory_space<hbm>> -> memref<512xf32, #tpu.memory_space<hbm>>
    %dma_wait3A_20 = tpu.memref_slice %arg4[%mul3A_2] : memref<16384xf32, #tpu.memory_space<hbm>> -> memref<512xf32, #tpu.memory_space<hbm>>
    tpu.wait_dma2 semaphore(%arg9 : memref<!tpu.dma_semaphore, #tpu.memory_space<semaphore_mem>>) src(%dma_wait3A_20 : memref<512xf32, #tpu.memory_space<hbm>>) dst(%arg6 : memref<512xf32, #tpu.memory_space<vmem>>)
    return
  }
}

</mosaic_0001>

<sc_bundles>
// kernel: kernel.3.cloned.1.call-start
scs
__scs_entry_jumppad:
0x0: {  	(pc) =	sbr.rel $0x88, $3  }
0x1: {  	(tag) =	ssettag $0x0;
	lr =	simm.s32 $0x1  }
0x2: {  	[smem:$0x3F9F] =	sst lr;
	_ =	strace $0xD0000000  }
0x3: {  	_ = 	snop  }
0x4: {  	_ = 	snop  }
0x5: {  	_ = 	snop  }
0x6: {  	_ = 	snop  }
0x7: {  	_ = 	snop  }
__scs_overlays_trampoline_lowered:
0x8: {  	[smem:$0x3FAE] =	sst s0  }
0x9: {  	[smem:$0x3FAF] =	sst s1  }
0xa: {  	[smem:$0x3FB0] =	sst s2  }
0xb: {  	[smem:$0x3FB1] =	sst s3  }
0xc: {  	[smem:$0x3FB2] =	sst s4  }
0xd: {  	[smem:$0x3FB3] =	sst s5  }
0xe: {  	[smem:$0x3FB4] =	sst s6  }
0xf: {  	[smem:$0x3FB5] =	sst s7  }
0x10: {  	[smem:$0x3FB6] =	sst s8  }
0x11: {  	[smem:$0x3FB7] =	sst s9;
	s0 =	simm.s32 @!p0 $0x0  }
0x12: {  	s1 =	sld [smem:$0x3F9D];
	s0 =	simm.s32 @p0 $0x1  }
0x13: {  	[smem:$0x3FB8] =	sst s0;
	s0 =	simm.s32 @!p1 $0x0  }
0x14: {  	s2 =	sld [smem:$0x3F9C];
	s0 =	simm.s32 @p1 $0x1  }
0x15: {  	[smem:$0x3FB9] =	sst s0;
	s0 =	simm.s32 @!p2 $0x0  }
0x16: {  	s3 =	sld [smem:$0x3FDB];
	s0 =	simm.s32 @p2 $0x1  }
0x17: {  	s4 =	simm.s32 $0x1BF5;
	[smem:$0x3FBB] =	sst s0  }
0x18: {  	s0 =	sld [smem:$0x3F9E];
	_ =	swait.ge [sflag:s4], $0x0  }
0x19: {  	s7 =	sld [smem:$0x3F9F]  }
0x1a: {  	s8 =	sadd.s32 $0xFFFFE003, lr  }
0x1b: {  	s9 =	sadd.s32 $0xFFFFFEF7, lr;
	s5 =	simm.s32 $0xFFFFFFFF;
	p2 =	slt.u32 s8, $0xFFFFF086  }
0x1c: {  	p1 =	slt.u32 s9, $0xF7A;
	s5 =	simm.s32 @!p2 $0x0  }
0x1d: {  	s5 =	simm.s32 @p1 $0x1;
	p0 =	seq.s32 s7, s2  }
0x1e: {  	s7 =	smul.u32 @!p0 $0xF7A, s2;
	p2 =	seq.s32 @!p0 s5, $0x0  }
0x1f: {  	s9 =	smul.u32 $0xF7A, s1;
	s8 =	simm.s32 @!p0 $0x1BF5;
	p2 =	por !p2, p0  }
0x20: {  	[sflag:s8] =	ssyncset.s32 @!p0 $0xFFFFF086;
	s6 =	sadd.s32 @!p0 s3, s7;
	s7 =	simm.s32 @!p0 $0x108  }
0x21: {  	s3 =	sadd.s32 s3, s9;
	s6 =	sadd.s32 @!p0 $0x88, s6;
	s7 =	simm.s32 @p2 $0x1082  }
0x22: {  	[simem:s7], [sflag:s8] =	dma.local @!p0 [hbm:s6], $0xF7A  }
0x23: {  	s9 =	sor.u32 $0xD0000000, s2;
	s6 =	simm.s32 $0x108;
	_ =	swait.ge @!p0 [sflag:s8], $0x0  }
0x24: {  	s3 =	sadd.s32 $0x88, s3;
	s6 =	simm.s32 @!p1 $0x1082;
	[sflag:s4] =	ssyncset.s32 $0xFFFFF086  }
0x25: {  	[simem:s6], [sflag:s4] =	dma.local [hbm:s3], $0xF7A  }
0x26: {  	[smem:$0x3F9F] =	sst s1;
	(tag) =	ssettag s2;
	_ =	strace s9  }
0x27: {  	s1 =	sld [smem:$0x3FAF]  }
0x28: {  	s2 =	sld [smem:$0x3FB0]  }
0x29: {  	s4 =	sld [smem:$0x3FB2]  }
0x2a: {  	p0 =	seq.s32 s5, $0x0;
	s5 =	sld [smem:$0x3FB3]  }
0x2b: {  	s6 =	sld [smem:$0x3FB4]  }
0x2c: {  	s7 =	sld [smem:$0x3FB5]  }
0x2d: {  	s3 =	simm.s32 $0x108;
	s8 =	sld [smem:$0x3FB6]  }
0x2e: {  	s3 =	simm.s32 @!p0 $0x1082;
	s9 =	sld [smem:$0x3FB7]  }
0x2f: {  	lr =	sadd.s32 s0, s3;
	s0 =	sld [smem:$0x3FAE]  }
0x30: {  	s3 =	sld [smem:$0x3FB1]  }
0x31: {  	[smem:$0x3FBA] =	sst s10  }
0x32: {  	s10 =	sld [smem:$0x3FB8];
	_ =	sdelay $0x3  }
0x33: {  	p0 =	seq.s32 s10, $0x1;
	s10 =	sld [smem:$0x3FBA];
	_ =	sdelay $0x3  }
0x34: {  	[smem:$0x3FBA] =	sst s10  }
0x35: {  	s10 =	sld [smem:$0x3FB9];
	_ =	sdelay $0x3  }
0x36: {  	p1 =	seq.s32 s10, $0x1;
	s10 =	sld [smem:$0x3FBA];
	_ =	sdelay $0x3  }
0x37: {  	[smem:$0x3FBA] =	sst s10  }
0x38: {  	s10 =	sld [smem:$0x3FBB]  }
0x39: {  	_ = 	snop;
	(pc) =	sbr.ind lr, $3  }
0x3a: {  	_ = 	snop  }
0x3b: {  	_ = 	snop  }
0x3c: {  	p2 =	seq.s32 s10, $0x1;
	s10 =	sld [smem:$0x3FBA]  }
0x3d: {  	_ =	shalt  }
0x3e: {  	_ =	shalt  }
0x3f: {  	_ =	shalt  }
0x40: {  	_ =	shalt  }
0x41: {  	_ =	shalt  }
0x42: {  	_ =	shalt  }
0x43: {  	_ =	shalt  }
0x44: {  	_ =	shalt  }
0x45: {  	_ =	shalt  }
0x46: {  	_ =	shalt  }
0x47: {  	_ =	shalt  }
0x48: {  	_ =	shalt  }
0x49: {  	_ =	shalt  }
0x4a: {  	_ =	shalt  }
0x4b: {  	_ =	shalt  }
0x4c: {  	_ =	shalt  }
0x4d: {  	_ =	shalt  }
0x4e: {  	_ =	shalt  }
0x4f: {  	_ =	shalt  }
0x50: {  	_ =	shalt  }
0x51: {  	_ =	shalt  }
0x52: {  	_ =	shalt  }
0x53: {  	_ =	shalt  }
0x54: {  	_ =	shalt  }
0x55: {  	_ =	shalt  }
0x56: {  	_ =	shalt  }
0x57: {  	_ =	shalt  }
0x58: {  	_ =	shalt  }
0x59: {  	_ =	shalt  }
0x5a: {  	_ =	shalt  }
0x5b: {  	_ =	shalt  }
0x5c: {  	_ =	shalt  }
0x5d: {  	_ =	shalt  }
0x5e: {  	_ =	shalt  }
0x5f: {  	_ =	shalt  }
0x60: {  	_ =	shalt  }
0x61: {  	_ =	shalt  }
0x62: {  	_ =	shalt  }
0x63: {  	_ =	shalt  }
0x64: {  	_ =	shalt  }
0x65: {  	_ =	shalt  }
0x66: {  	_ =	shalt  }
0x67: {  	_ =	shalt  }
0x68: {  	_ =	shalt  }
0x69: {  	_ =	shalt  }
0x6a: {  	_ =	shalt  }
0x6b: {  	_ =	shalt  }
0x6c: {  	_ =	shalt  }
0x6d: {  	_ =	shalt  }
0x6e: {  	_ =	shalt  }
0x6f: {  	_ =	shalt  }
0x70: {  	_ =	shalt  }
0x71: {  	_ =	shalt  }
0x72: {  	_ =	shalt  }
0x73: {  	_ =	shalt  }
0x74: {  	_ =	shalt  }
0x75: {  	_ =	shalt  }
0x76: {  	_ =	shalt  }
0x77: {  	_ =	shalt  }
0x78: {  	_ =	shalt  }
0x79: {  	_ =	shalt  }
0x7a: {  	_ =	shalt  }
0x7b: {  	_ =	shalt  }
0x7c: {  	_ =	shalt  }
0x7d: {  	_ =	shalt  }
0x7e: {  	_ =	shalt  }
0x7f: {  	_ =	shalt  }
0x80: {  	_ =	shalt  }
0x81: {  	_ =	shalt  }
0x82: {  	_ =	shalt  }
0x83: {  	_ =	shalt  }
0x84: {  	_ =	shalt  }
0x85: {  	_ =	shalt  }
0x86: {  	_ =	shalt  }
0x87: {  	_ =	shalt  }
.Lfunc_end0:
.L_simem_size_0:
called_computation_lowered:
.L_overlay_start_0:
0x88: {  	s2 =	sld [smem:$0x3FD9]  }
0x89: {  	s3 =	sld [smem:$0x3FFE];
	_ =	sdelay $0x1  }
0x8a: {  	s1 =	srdreg.scid  }
0x8b: {  	s0 =	sand.u32 $0x1, s1  }
0x8c: {  	s18 =	sshll.u32 s0, $0xA;
	s2 =	sadd.s32 s3, s2  }
0x8d: {  	s2 =	sadd.s32 s2, s18  }
0x8e: {  	[smem:$0x3FC6] =	sst s2  }
0x8f: {  	_ = 	snop  }
0x90: {  	s2 =	sld [smem:$0x3FC9]  }
0x91: {  	s19 =	sld [smem:$0x3FC8]  }
0x92: {  	s4 =	sld [smem:$0x3FD0];
	(tm) =	ssettm $0x1  }
0x93: {  	s5 =	sld [smem:$0x3FFB];
	_ =	sdelay $0x3  }
0x94: {  	_ =	strace s5  }
0x95: {  	s5 =	sld [smem:$0x3FFC];
	_ =	sdelay $0x3  }
0x96: {  	_ =	strace s5  }
0x97: {  	s5 =	sld [smem:$0x3FFD];
	_ =	sdelay $0x3  }
0x98: {  	_ =	strace s5  }
0x99: {  	_ =	strace $0x8FFFFFFF  }
0x9a: {  	s20 =	sld [smem:$0x3FDB];
	_ =	sdelay $0x1  }
0x9b: {  	s6 =	simm.s32 $_scs_section_size  }
0x9c: {  	s7 =	simm.s32 $_size__tile_overlayer_lowered;
	s8 =	simm.s32 $_tile_overlayer_lowered  }
0x9d: {  	s23 =	simm.s32 $0x1BFF;
	s22 =	sshll.u32 s8, $0x1;
	s5 =	sadd.s32 s6, s20  }
0x9e: {  	s9 =	simm.s32 $0x0;
	s21 =	sshll.u32 s7, $0x1;
	s7 =	sadd.s32 s22, s5  }
0x9f: {  	[timem:s9], [sflag:s23] =	dma.local [hbm:s7], s21  }
0xa0: {  	_ =	swait.ge [sflag:s23], s21  }
0xa1: {  	s6 =	ssub.s32 $0x0, s21;
	[sflag:s23] =	ssyncset.done $0x0  }
0xa2: {  	[sflag:s23] =	ssyncadd.s32 s6;
	_ =	sdelay $0x1  }
0xa3: {  	s24 =	simm.s32 $0x1B8B  }
0xa4: {  	_ =	swait.ge [sflag:s24], $0x1  }
0xa5: {  	[sflag:s24] =	ssyncset.done $0x0  }
0xa6: {  	s25 =	simm.s32 $0x1B8E;
	[sflag:s24] =	ssyncadd.s32 $0xFFFFFFFF  }
0xa7: {  	s26 =	simm.s32 $execute0_lowered;
	[smem:$0x3FD2] =	sst s25  }
0xa8: {  	s6 =	sshll.u32 s26, $0x1;
	_ =	strace $0x80000046;
	[dreg:$0x1] =	wrdreg $0xFFFFFFFF  }
0xa9: {  	s28 =	simm.s32 $_size_execute0_lowered;
	s5 =	sadd.s32 s5, s6;
	[dreg:$0x0] =	wrdreg $0x0  }
0xaa: {  	s6 =	sshll.u32 s28, $0x1;
	[dreg:$0x2] =	wrdreg s5  }
0xab: {  	[dreg:$0x3] =	wrdreg s6  }
0xac: {  	[dreg:$0x4] =	wrdreg $0xC0  }
0xad: {  	_ =	task [dreg:s9], $0x5FFFF  }
0xae: {  	[dreg:$0x1] =	wrdreg $0xFFFFFFFF  }
0xaf: {  	[dreg:$0x0] =	wrdreg $0x60  }
0xb0: {  	[dreg:$0x2] =	wrdreg s2  }
0xb1: {  	[dreg:$0x3] =	wrdreg s19  }
0xb2: {  	[dreg:$0x4] =	wrdreg s4  }
0xb3: {  	[dreg:$0x5] =	wrdreg $0x9  }
0xb4: {  	_ =	task.clear_ibuf [dreg:s9], $0x6FFFF;
	_ =	strace $0x90000046  }
0xb5: {  	s29 =	simm.s32 $0x9;
	_ =	strace $0x80000048  }
0xb6: {  	_ =	swait.ge [sflag:s29], $0x1  }
0xb7: {  	[sflag:s29] =	ssyncadd.s32 $0xFFFFFFFF  }
0xb8: {  	_ =	strace $0x90000048  }
0xb9: {  	_ =	sfence  }
0xba: {  	s30 =	sld [smem:$0x0];
	_ =	sdelay $0x2  }
0xbb: {  	s31 =	sshll.u32 s1, $0xD;
	s1 =	sshrl.u32 s1, $0x2  }
0xbc: {  	s3 =	sand.u32 $0x4000, s31;
	s1 =	sadd.s32 s1, s30  }
0xbd: {  	s0 =	sor.u32 s3, s0;
	s1 =	sshll.u32 s1, $0x11  }
0xbe: {  	s0 =	sor.u32 s1, s0  }
0xbf: {  	s0 =	sadd.s32 $0x8F2B, s0  }
0xc0: {  	[sflag:s0] =	ssyncadd.remote.s32 $0x1  }
0xc1: {  	_ =	sfence.sel $0xFFFF  }
0xc2: {  	[dreg:$0x0] =	wrdreg $0xFFFFFFFF;
	(pc) =	sbr.abs _section_cstart, $3  }
0xc3: {  	[dreg:$0x1] =	wrdreg $0xFFFFFFFF  }
0xc4: {  	_ =	task.clear_ibuf [dreg:s9], $0x2FFFF;
	_ =	strace $0x9FFFFFFF  }
0xc5: {  	(tm) =	ssettm $0x7FFFFFFF  }
tec
execute0_lowered:
.L_overlay_start_1:
0x0: {  	(tag) =	ssettag $0x1  }
0x1: {  	s1 =	rddreg [dreg:$0x0]  }
0x2: {  	s0 =	rddreg [dreg:$0x1]  }
0x3: {  	s2 =	rddreg [dreg:$0x2]  }
0x4: {  	s3 =	srdreg.scid;
	s7 =	stileid.u32;
	s14 =	simm.s32 $0x80  }
0x5: {  	s17 =	simm.s32 $0x5;
	s19 =	simm.s32 $0x6;
	s21 =	simm.s32 $0x7  }
0x6: {  	s23 =	simm.s32 $0x8;
	s24 =	simm.s32 $0x380;
	s25 =	simm.s32 $0x9  }
0x7: {  	s26 =	simm.s32 $0x0;
	s4 =	sand.u32 $0x1, s3;
	s3 =	simm.s32 $0x0  }
0x8: {  	s7 =	sshll.u32 s7, $0xA;
	s5 =	ssub.s32 $0x2, s4;
	s4 =	sshll.u32 s4, $0x9  }
0x9: {  	[smem:$0x7FF] =	sst s3;
	s6 =	sshrl.u32 s5, $0x1;
	s15 =	sor.u32 s4, s7  }
0xa: {  	_ =	strace $0x80000047;
	s5 =	ssub.s32 s5, s6;
	s4 =	sshrl.u32 s15, $0x3  }
0xb: {  	v0 =	vlaneseq.u32;
	s5 =	smax.u32 s5, $0x1;
	s6 =	sadd.s32 s0, s4;
	s11 =	sor.u32 $0x10, s4  }
0xc: {  	v1 =	vor.u32 $0x10, v0;
	s12 =	sor.u32 $0x20, s4;
	s13 =	sor.u32 $0x30, s4;
	s10 =	sadd.s32 s2, s4  }
0xd: {  	v2 =	vor.u32 $0x20, v0;
	v3 =	vor.u32 $0x30, v0;
	v4 =	vor.u32 $0x40, v0;
	s7 =	sadd.s32 s0, s11;
	s8 =	sadd.s32 s0, s12;
	s9 =	sadd.s32 s0, s13  }
0xe: {  	v5 =	vor.u32 $0x50, v0;
	v6 =	vor.u32 $0x60, v0;
	v7 =	vor.u32 $0x70, v0;
	s11 =	sadd.s32 s2, s11;
	s12 =	sadd.s32 s2, s12;
	s13 =	sadd.s32 s2, s13  }
.LBB2_1:
0xf: {  	[tilespmem:s3], [sflag:$0x1] =	stream.linear.gather [hbm4b:s6+s3], $0x80, $0x38;
	[tilespmem:$0x400] =	vst v63  }
0x10: {  	_ = 	snop  }
0x11: {  	[tilespmem:s14], [sflag:$0x2] =	stream.linear.gather [hbm4b:s7+s3], $0x80, $0x38;
	[tilespmem:$0x400] =	vst v63  }
0x12: {  	s0 =	simm.s32 $0x100  }
0x13: {  	[tilespmem:s0], [sflag:$0x3] =	stream.linear.gather [hbm4b:s8+s3], $0x80, $0x38;
	[tilespmem:$0x400] =	vst v63  }
0x14: {  	s20 =	simm.s32 $0x180;
	s22 =	simm.s32 $0x1  }
0x15: {  	[tilespmem:s20], [sflag:$0x4] =	stream.linear.gather [hbm4b:s9+s3], $0x80, $0x38;
	[tilespmem:$0x400] =	vst v63  }
0x16: {  	_ =	swait.ge [sflag:s22], $0x80  }
0x17: {  	[sflag:s22] =	ssyncset.done $0x0  }
0x18: {  	[sflag:s22] =	ssyncadd.s32 $0xFFFFFF80  }
0x19: {  	v10 =	vld [tilespmem:s3+$0x30]  }
0x1a: {  	v8 =	vld [tilespmem:s3+$0x60]  }
0x1b: {  	v13 =	vld [tilespmem:s3+$0x20]  }
0x1c: {  	s28 =	simm.s32 $0x0;
	s29 =	simm.s32 $0x0;
	v11 =	vld [tilespmem:s3+$0x0]  }
0x1d: {  	s2 =	simm.s32 $0x200;
	s4 =	smov.u32 s15;
	s16 =	simm.s32 $0x0;
	v12 =	vld [tilespmem:s3+$0x40]  }
0x1e: {  	s31 =	smov.u32 s15;
	s30 =	simm.s32 $0x200;
	s0 =	simm.s32 $0x4;
	v9 =	vld [tilespmem:s3+$0x70]  }
.LBB2_2:
0x1f: {  	v14 =	vld [tilespmem:s29+$0x50];
	s2 =	sadd.s32 $0x80, s2;
	s4 =	sadd.s32 $0x80, s4;
	s16 =	sadd.s32 $0x80, s16  }
0x20: {  	p0 =	sne.s32 s0, $0xC;
	s18 =	smov.u32 s0;
	s0 =	sadd.s32 $0x4, s0;
	v15 =	vld [tilespmem:s29+$0x10];
	v13 =	vshll.u32 v13, $0xE  }
0x21: {  	v10 =	vshll.u32 v10, $0xE;
	v11 =	vshll.u32 v11, $0xE;
	v13 =	vadd.s32 s31, v13  }
0x22: {  	v10 =	vadd.s32 s31, v10;
	v13 =	vadd.s32 v2, v13;
	v12 =	vshll.u32 v12, $0xE  }
0x23: {  	v10 =	vadd.s32 v3, v10;
	v11 =	vadd.s32 s31, v11;
	[tilespmem:s29+$0x20] =	vst v13;
	v12 =	vadd.s32 s31, v12  }
0x24: {  	v11 =	vadd.s32 v0, v11;
	[tilespmem:s29+$0x30] =	vst v10;
	v10 =	vadd.s32 v4, v12;
	v12 =	vshll.u32 v14, $0xE  }
0x25: {  	v9 =	vshll.u32 v9, $0xE;
	v13 =	vshll.u32 v15, $0xE;
	[tilespmem:s29+$0x40] =	vst v10;
	v10 =	vadd.s32 s31, v12  }
0x26: {  	v9 =	vadd.s32 s31, v9;
	[tilespmem:s29+$0x0] =	vst v11;
	v11 =	vadd.s32 s31, v13;
	v10 =	vadd.s32 v5, v10  }
0x27: {  	v8 =	vshll.u32 v8, $0xE;
	s18 =	sshra.s32 s18, $0x2;
	v9 =	vadd.s32 v7, v9;
	v11 =	vadd.s32 v1, v11;
	[tilespmem:s29+$0x50] =	vst v10  }
0x28: {  	v8 =	vadd.s32 s31, v8;
	s20 =	sadd.s32 $0x1, s18;
	s31 =	smov.u32 s4;
	[tilespmem:s29+$0x70] =	vst v9  }
0x29: {  	v8 =	vadd.s32 v6, v8;
	[tilespmem:s29+$0x10] =	vst v11  }
0x2a: {  	s22 =	sadd.s32 $0x5, s28;
	s28 =	smov.u32 s18;
	[tilespmem:s29+$0x60] =	vst v8  }
0x2b: {  	[tilespmem:s30], [sflag:s22] =	stream.indirect.gather [hbm4b:s1+s14], $0x1, s29, s14, $0xb8;
	[tilespmem:$0x400] =	vst v63  }
0x2c: {  	s30 =	smov.u32 s2;
	s29 =	smov.u32 s16;
	_ =	swait.ge [sflag:s20], $0x80  }
0x2d: {  	[sflag:s20] =	ssyncset.done $0x0  }
0x2e: {  	[sflag:s20] =	ssyncadd.s32 $0xFFFFFF80  }
0x2f: {  	v10 =	vld [tilespmem:s16+$0x30]  }
.Ltmp0:
0x30: {  	v8 =	vld [tilespmem:s16+$0x60];
	(pc) =	sbr.rel @p0 .LBB2_2-.Ltmp0, $4  }
0x31: {  	v13 =	vld [tilespmem:s16+$0x20]  }
0x32: {  	v11 =	vld [tilespmem:s16+$0x0]  }
0x33: {  	v12 =	vld [tilespmem:s16+$0x40]  }
0x34: {  	v9 =	vld [tilespmem:s16+$0x70]  }
0x35: {  	v10 =	vshll.u32 v10, $0xE  }
0x36: {  	v14 =	vld [tilespmem:s29+$0x50];
	v8 =	vshll.u32 v8, $0xE;
	v10 =	vadd.s32 s31, v10  }
0x37: {  	v15 =	vld [tilespmem:s29+$0x10];
	v13 =	vshll.u32 v13, $0xE;
	v8 =	vadd.s32 s31, v8;
	v10 =	vadd.s32 v3, v10  }
0x38: {  	v13 =	vadd.s32 s31, v13;
	v11 =	vshll.u32 v11, $0xE;
	v8 =	vadd.s32 v6, v8;
	[tilespmem:s29+$0x30] =	vst v10  }
0x39: {  	v13 =	vadd.s32 v2, v13;
	v12 =	vshll.u32 v12, $0xE;
	v11 =	vadd.s32 s31, v11;
	[tilespmem:s29+$0x60] =	vst v8  }
0x3a: {  	[tilespmem:s29+$0x20] =	vst v13;
	v12 =	vadd.s32 s31, v12;
	v11 =	vadd.s32 v0, v11;
	v9 =	vshll.u32 v9, $0xE  }
0x3b: {  	v58 =	vadd.s32 v4, v12;
	v59 =	vshll.u32 v14, $0xE;
	[tilespmem:s29+$0x0] =	vst v11;
	v9 =	vadd.s32 s31, v9  }
0x3c: {  	v61 =	vshll.u32 v15, $0xE;
	[tilespmem:s29+$0x40] =	vst v58;
	v60 =	vadd.s32 s31, v59;
	v9 =	vadd.s32 v7, v9  }
0x3d: {  	v62 =	vadd.s32 s31, v61;
	v10 =	vadd.s32 v5, v60;
	[tilespmem:s29+$0x70] =	vst v9  }
0x3e: {  	v63 =	vadd.s32 v1, v62;
	[tilespmem:s29+$0x50] =	vst v10  }
0x3f: {  	s0 =	sadd.s32 $0x5, s28;
	[tilespmem:s29+$0x10] =	vst v63  }
0x40: {  	[tilespmem:s30], [sflag:s0] =	stream.indirect.gather [hbm4b:s1+s14], $0x1, s29, s14, $0xb8;
	[tilespmem:$0x400] =	vst v63  }
0x41: {  	_ =	swait.ge [sflag:s17], $0x80  }
0x42: {  	[sflag:s17] =	ssyncset.done $0x0  }
0x43: {  	s29 =	simm.s32 $0x200;
	[sflag:s17] =	ssyncadd.s32 $0xFFFFFF80  }
0x44: {  	[hbm4b:s10+s3] =	stream.linear.scatter [tilespmem:s29], [sflag:$0x9], $0x80, $0x38;
	[tilespmem:$0x400] =	vst v63  }
0x45: {  	_ =	swait.ge [sflag:s19], $0x80  }
0x46: {  	[sflag:s19] =	ssyncset.done $0x0  }
0x47: {  	s30 =	simm.s32 $0x280;
	[sflag:s19] =	ssyncadd.s32 $0xFFFFFF80  }
0x48: {  	[hbm4b:s11+s3] =	stream.linear.scatter [tilespmem:s30], [sflag:$0x9], $0x80, $0x38;
	[tilespmem:$0x400] =	vst v63  }
0x49: {  	_ =	swait.ge [sflag:s21], $0x80  }
0x4a: {  	[sflag:s21] =	ssyncset.done $0x0  }
0x4b: {  	s31 =	simm.s32 $0x300;
	[sflag:s21] =	ssyncadd.s32 $0xFFFFFF80  }
0x4c: {  	[hbm4b:s12+s3] =	stream.linear.scatter [tilespmem:s31], [sflag:$0x9], $0x80, $0x38;
	[tilespmem:$0x400] =	vst v63  }
0x4d: {  	s26 =	sadd.s32 $0x1, s26;
	_ =	swait.ge [sflag:s23], $0x80  }
0x4e: {  	p0 =	sne.s32 s26, s5;
	[sflag:s23] =	ssyncset.done $0x0  }
.Ltmp1:
0x4f: {  	[sflag:s23] =	ssyncadd.s32 $0xFFFFFF80;
	(pc) =	sbr.rel @p0 .LBB2_1-.Ltmp1, $4  }
0x50: {  	[hbm4b:s13+s3] =	stream.linear.scatter [tilespmem:s24], [sflag:$0x9], $0x80, $0x38;
	[tilespmem:$0x400] =	vst v63  }
0x51: {  	_ =	swait.ge [sflag:s25], $0x200  }
0x52: {  	[sflag:s25] =	ssyncset.done $0x0  }
0x53: {  	[sflag:s25] =	ssyncadd.s32 $0xFFFFFE00  }
0x54: {  	_ =	sfence.sel $0x180000  }
0x55: {  	[bflag:$0x0] =	sbarrier.arrive $0xFFFF  }
0x56: {  	_ =	strace $0x90000047  }
0x57: {  	s0 =	stileid.u32;
	[bflag:$0x2] =	sbarrier.arrive $0xFFFF  }
0x58: {  	p0 =	sne.s32 s0, $0x0;
	s0 =	rddreg [dreg:$0x3]  }
0x59: {  	s0 =	sadd.s32 @!p0 $0x100000, s0  }
0x5a: {  	[sflag:s0] =	ssyncadd.tile.s32 @!p0 $0x1;
	_ =	shalt  }
.Lfunc_end2:
_tile_overlayer_lowered:
.L_overlay_start_2:
0x5b: {  	(tag) =	ssettag $0x2  }
0x5c: {  	s0 =	rddreg [dreg:$0x0];
	s2 =	stileid.u32  }
0x5d: {  	s1 =	rddreg [dreg:$0x1];
	p0 =	sne.s32 s2, $0x0  }
0x5e: {  	s3 =	rddreg [dreg:$0x2];
	[bflag:$0x3] =	sbarrier.arrive $0xFFFF;
	s2 =	simm.s32 @!p0 $0x1C0A  }
0x5f: {  	[timem:s3], [sflag:s2] =	dma.local @!p0 [hbm:s0], s1  }
0x60: {  	s0 =	simm.s32 @!p0 $0xA  }
0x61: {  	_ =	swait.ge @!p0 [sflag:s0], s1  }
0x62: {  	s1 =	ssub.s32 @!p0 $0x0, s1;
	[sflag:s0] =	ssyncset.done @!p0 $0x0  }
0x63: {  	[sflag:s0] =	ssyncadd.s32 @!p0 s1  }
0x64: {  	[bflag:$0x3] =	sbarrier.arrive $0xFFFF  }
0x65: {  	_ =	shalt  }

</sc_bundles>
